<compile_context>
chip_gen: v7x
topology: tpu7x:2x2x1
jax: 0.10.2.dev20260603
libtpu: 0.0.44.dev20260713+nightly
codegen_flags: <defaults>
</compile_context>

<pallas_src>
import functools

import jax
import jax.numpy as jnp
from jax import lax
from jax.experimental import pallas as pl
from jax.experimental.pallas import tpu as pltpu
from jax.experimental.pallas import tpu_sc as plsc


def _make_gather(V: int, D: int, N: int, NC: int, NS: int, C: int):
    NW = NC * NS
    assert N % (NW * C) == 0
    b_per_w = N // NW
    n_chunks = b_per_w // C
    mesh = plsc.VectorSubcoreMesh(
        core_axis_name="c", subcore_axis_name="s", num_cores=NC, num_subcores=NS
    )

    NBUF = 2
    assert n_chunks >= NBUF

    @functools.partial(
        pl.kernel,
        out_type=jax.ShapeDtypeStruct((N, D), jnp.float32),
        mesh=mesh,
        scratch_types=[
            pltpu.VMEM((n_chunks, C), jnp.int32),
            pltpu.VMEM((NBUF, C, D), jnp.float32),
            pltpu.SemaphoreType.DMA,
            pltpu.SemaphoreType.DMA,
            pltpu.VMEM((128, 32), jnp.bfloat16),
            pltpu.VMEM((544, 16), jnp.float32),
        ],
    )
    def gather(wt_hbm, idx_hbm, out_hbm, idx_v, rows_v, gsem, wsem, bfbuf, cvbuf):
        wid = lax.axis_index("s") * NC + lax.axis_index("c")
        base = wid * b_per_w
        pltpu.sync_copy(idx_hbm.at[wid], idx_v.at[...])

        for s in range(NBUF):
            pltpu.async_copy(wt_hbm.at[idx_v.at[s]], rows_v.at[s], gsem)

        def step(g, carry):
            pltpu.make_async_copy(
                wt_hbm.at[idx_v.at[0]], rows_v.at[0], gsem
            ).wait()
            for s in range(NBUF):
                @pl.when(lax.rem(g, NBUF) == s)
                def _():
                    pltpu.async_copy(
                        rows_v.at[s], out_hbm.at[pl.ds(base + g * C, C)], wsem
                    )

            @pl.when(jnp.logical_and(g >= 1, g - 1 + NBUF < n_chunks))
            def _():
                pltpu.make_async_copy(
                    rows_v.at[0], out_hbm.at[pl.ds(base, C)], wsem
                ).wait()
                for s in range(NBUF):
                    @pl.when(lax.rem(g - 1, NBUF) == s)
                    def _():
                        pltpu.async_copy(
                            wt_hbm.at[idx_v.at[g - 1 + NBUF]], rows_v.at[s], gsem
                        )

            @functools.partial(plsc.parallel_loop, 0, 512, unroll=8)
            def _(j):
                a, b = plsc.unpack(bfbuf[j % 128], format=plsc.PackFormat.INTERLEAVED)
                cvbuf[2 * (j % 256)] = a
                cvbuf[2 * (j % 256) + 1] = b

            return carry

        lax.fori_loop(0, n_chunks, step, 0)

        for _ in range(NBUF):
            pltpu.make_async_copy(
                rows_v.at[0], out_hbm.at[pl.ds(base, C)], wsem
            ).wait()

    return gather


def kernel(x, W_E):
    B, P = x.shape
    D, V = W_E.shape
    N = B * P
    WT = W_E.T
    info = plsc.get_sparse_core_info()
    NW = info.num_cores * info.num_subcores
    C = 128
    idx = x.reshape(NW, N // (NW * C), C).astype(jnp.int32)
    gather = _make_gather(V, D, N, info.num_cores, info.num_subcores, C=C)
    out = gather(WT, idx)
    return out.reshape(B, P, D)

# --- scband reference (transcript-rebuilt; emitter-appended) ---
"""Pipeline reference for scband-embed-10685878632566 (READ-ONLY COPY).

The authoritative reference and input builder live on the scoring server;
editing this copy changes nothing except your own understanding.
"""

import jax, jax.numpy as jnp
import numpy as np

D_VOCAB = 100000
D_MODEL = 128

def setup_inputs(seed: int = 0) -> dict:
    key = jax.random.key(seed)
    k1, k2 = jax.random.split(key)
    x = jax.random.randint(k1, (4096, 200), 0, D_VOCAB, dtype=jnp.int64 if jax.config.jax_enable_x64 else jnp.int32)
    W_E = jax.random.normal(k2, (D_MODEL, D_VOCAB), dtype=jnp.float32) / (D_MODEL ** 0.5)
    return {"x": x, "W_E": W_E}

def reference(x, W_E):
    # torch: einsum('dbp->bpd', W_E[:, x]) -- gather columns then move d to last axis
    gathered = jnp.take(W_E, x, axis=1)  # [d, b, p]
    return jnp.transpose(gathered, (1, 2, 0))  # [b, p, d]

if __name__ == "__main__":
    import jax
    _d = setup_inputs()
    print(jax.jit(kernel)(*tuple(_d.values())))

</pallas_src>

<mosaic_0001>
#map = affine_map<(d0, d1) -> (0, 0)>
#map1 = affine_map<(d0, d1) -> (0, 0, 0)>
module attributes {stable_mosaic.version = 14 : i64} {
  func.func @gather(%arg0: i32, %arg1: i32, %arg2: memref<100000x128xf32, #tpu.memory_space<hbm>>, %arg3: memref<32x200x128xi32, #tpu.memory_space<hbm>>, %arg4: memref<819200x128xf32, #tpu.memory_space<hbm>>, %arg5: memref<200x128xi32, #tpu.memory_space<vmem>>, %arg6: memref<2x128x128xf32, #tpu.memory_space<vmem>>, %arg7: memref<!tpu.dma_semaphore, #tpu.memory_space<semaphore_mem>>, %arg8: memref<!tpu.dma_semaphore, #tpu.memory_space<semaphore_mem>>, %arg9: memref<128x32xbf16, #tpu.memory_space<vmem>>, %arg10: memref<544x16xf32, #tpu.memory_space<vmem>>) attributes {dimension_semantics = [#tpu.dimension_semantics<core_parallel>, #tpu.dimension_semantics<subcore_parallel>], iteration_bounds = array<i64: 2, 16>, scalar_prefetch = 0 : i64, scratch_operands = 6 : i64, tpu.core_type = #tpu.core_type<sc_vector_subcore>, window_params = [{transform_indices = #map}, {transform_indices = #map1}, {transform_indices = #map}]} {
    %mul3A = arith.constant 2 : i32
    %mul3A_0 = arith.muli %arg1, %mul3A : i32
    %add3A = arith.addi %mul3A_0, %arg0 : i32
    %mul3A_1 = arith.constant 25600 : i32
    %mul3A_2 = arith.muli %add3A, %mul3A_1 : i32
    "tpu.region"() ({
      %run_scoped3A = tpu.sem_alloc : memref<!tpu.dma_semaphore, #tpu.memory_space<semaphore_mem>>
      %dma_start3A_56 = arith.constant 0 : i32
      %dma_start3A_57 = arith.constant 0 : i32
      %dma_start3A_58 = tpu.memref_slice %arg5[%dma_start3A_56, %dma_start3A_57] : memref<200x128xi32, #tpu.memory_space<vmem>> -> memref<200x128xi32, #tpu.memory_space<vmem>>
      %dma_start3A_59 = arith.constant 0 : i32
      %dma_start3A_60 = arith.constant 0 : i32
      %dma_start3A_61 = tpu.memref_slice %arg3[%add3A, %dma_start3A_59, %dma_start3A_60] : memref<32x200x128xi32, #tpu.memory_space<hbm>> -> memref<1x200x128xi32, #tpu.memory_space<hbm>>
      %dma_start3A_62 = tpu.memref_squeeze %dma_start3A_61 : memref<1x200x128xi32, #tpu.memory_space<hbm>> -> memref<200x128xi32, #tpu.memory_space<hbm>>
      %dma_start3A_63 = arith.constant 0 : i32
      %dma_start3A_64 = arith.constant 0 : i32
      %dma_start3A_65 = tpu.memref_slice %arg5[%dma_start3A_63, %dma_start3A_64] : memref<200x128xi32, #tpu.memory_space<vmem>> -> memref<200x128xi32, #tpu.memory_space<vmem>>
      %dma_start3A_66 = arith.constant 0 : i32
      %dma_start3A_67 = arith.constant 0 : i32
      %dma_start3A_68 = tpu.memref_slice %arg3[%add3A, %dma_start3A_66, %dma_start3A_67] : memref<32x200x128xi32, #tpu.memory_space<hbm>> -> memref<1x200x128xi32, #tpu.memory_space<hbm>>
      %dma_start3A_69 = tpu.memref_squeeze %dma_start3A_68 : memref<1x200x128xi32, #tpu.memory_space<hbm>> -> memref<200x128xi32, #tpu.memory_space<hbm>>
      tpu.enqueue_dma source(%dma_start3A_69 : memref<200x128xi32, #tpu.memory_space<hbm>>) target(%dma_start3A_65 : memref<200x128xi32, #tpu.memory_space<vmem>>) target_semaphore(%run_scoped3A : memref<!tpu.dma_semaphore, #tpu.memory_space<semaphore_mem>>)
      %dma_wait3A_70 = arith.constant 0 : i32
      %dma_wait3A_71 = arith.constant 0 : i32
      %dma_wait3A_72 = tpu.memref_slice %arg5[%dma_wait3A_70, %dma_wait3A_71] : memref<200x128xi32, #tpu.memory_space<vmem>> -> memref<200x128xi32, #tpu.memory_space<vmem>>
      %dma_wait3A_73 = arith.constant 0 : i32
      %dma_wait3A_74 = arith.constant 0 : i32
      %dma_wait3A_75 = tpu.memref_slice %arg3[%add3A, %dma_wait3A_73, %dma_wait3A_74] : memref<32x200x128xi32, #tpu.memory_space<hbm>> -> memref<1x200x128xi32, #tpu.memory_space<hbm>>
      %dma_wait3A_76 = tpu.memref_squeeze %dma_wait3A_75 : memref<1x200x128xi32, #tpu.memory_space<hbm>> -> memref<200x128xi32, #tpu.memory_space<hbm>>
      %dma_wait3A_77 = arith.constant 0 : i32
      %dma_wait3A_78 = arith.constant 0 : i32
      %dma_wait3A_79 = tpu.memref_slice %arg5[%dma_wait3A_77, %dma_wait3A_78] : memref<200x128xi32, #tpu.memory_space<vmem>> -> memref<200x128xi32, #tpu.memory_space<vmem>>
      %dma_wait3A_80 = arith.constant 0 : i32
      %dma_wait3A_81 = arith.constant 0 : i32
      %dma_wait3A_82 = tpu.memref_slice %arg3[%add3A, %dma_wait3A_80, %dma_wait3A_81] : memref<32x200x128xi32, #tpu.memory_space<hbm>> -> memref<1x200x128xi32, #tpu.memory_space<hbm>>
      %dma_wait3A_83 = tpu.memref_squeeze %dma_wait3A_82 : memref<1x200x128xi32, #tpu.memory_space<hbm>> -> memref<200x128xi32, #tpu.memory_space<hbm>>
      tpu.wait_dma2 semaphore(%run_scoped3A : memref<!tpu.dma_semaphore, #tpu.memory_space<semaphore_mem>>) src(%dma_wait3A_83 : memref<200x128xi32, #tpu.memory_space<hbm>>) dst(%dma_wait3A_79 : memref<200x128xi32, #tpu.memory_space<vmem>>)
      tpu.yield
    }) : () -> ()
    %dma_start3A = arith.constant 0 : i32
    %dma_start3A_3 = arith.constant 0 : i32
    %dma_start3A_4 = arith.constant 0 : i32
    %dma_start3A_5 = arith.constant 0 : i32
    %dma_start3A_6 = tpu.memref_slice %arg6[%dma_start3A_3, %dma_start3A_4, %dma_start3A_5] : memref<2x128x128xf32, #tpu.memory_space<vmem>> -> memref<1x128x128xf32, #tpu.memory_space<vmem>>
    %dma_start3A_7 = tpu.memref_squeeze %dma_start3A_6 : memref<1x128x128xf32, #tpu.memory_space<vmem>> -> memref<128x128xf32, #tpu.memory_space<vmem>>
    %dma_start3A_8 = arith.constant 0 : i32
    %dma_start3A_9 = tpu.memref_slice %arg5[%dma_start3A, %dma_start3A_8] : memref<200x128xi32, #tpu.memory_space<vmem>> -> memref<1x128xi32, #tpu.memory_space<vmem>>
    %dma_start3A_10 = tpu.memref_squeeze %dma_start3A_9 : memref<1x128xi32, #tpu.memory_space<vmem>> -> memref<128xi32, #tpu.memory_space<vmem>>
    %dma_start3A_11 = arith.constant 0 : i32
    %dma_start3A_12 = arith.constant 0 : i32
    %dma_start3A_13 = tpu.memref_slice %arg2[%dma_start3A_11, %dma_start3A_12] : memref<100000x128xf32, #tpu.memory_space<hbm>> -> memref<100000x128xf32, #tpu.memory_space<hbm>>
    tpu.enqueue_indirect_dma source(%dma_start3A_13 : memref<100000x128xf32, #tpu.memory_space<hbm>>) target(%dma_start3A_7 : memref<128x128xf32, #tpu.memory_space<vmem>>) offsets(%dma_start3A_10 : memref<128xi32, #tpu.memory_space<vmem>>) semaphore(%arg7 : memref<!tpu.dma_semaphore, #tpu.memory_space<semaphore_mem>>)
    %dma_start3A_14 = arith.constant 1 : i32
    %dma_start3A_15 = arith.constant 1 : i32
    %dma_start3A_16 = arith.constant 0 : i32
    %dma_start3A_17 = arith.constant 0 : i32
    %dma_start3A_18 = tpu.memref_slice %arg6[%dma_start3A_15, %dma_start3A_16, %dma_start3A_17] : memref<2x128x128xf32, #tpu.memory_space<vmem>> -> memref<1x128x128xf32, #tpu.memory_space<vmem>>
    %dma_start3A_19 = tpu.memref_squeeze %dma_start3A_18 : memref<1x128x128xf32, #tpu.memory_space<vmem>> -> memref<128x128xf32, #tpu.memory_space<vmem>>
    %dma_start3A_20 = arith.constant 0 : i32
    %dma_start3A_21 = tpu.memref_slice %arg5[%dma_start3A_14, %dma_start3A_20] : memref<200x128xi32, #tpu.memory_space<vmem>> -> memref<1x128xi32, #tpu.memory_space<vmem>>
    %dma_start3A_22 = tpu.memref_squeeze %dma_start3A_21 : memref<1x128xi32, #tpu.memory_space<vmem>> -> memref<128xi32, #tpu.memory_space<vmem>>
    %dma_start3A_23 = arith.constant 0 : i32
    %dma_start3A_24 = arith.constant 0 : i32
    %dma_start3A_25 = tpu.memref_slice %arg2[%dma_start3A_23, %dma_start3A_24] : memref<100000x128xf32, #tpu.memory_space<hbm>> -> memref<100000x128xf32, #tpu.memory_space<hbm>>
    tpu.enqueue_indirect_dma source(%dma_start3A_25 : memref<100000x128xf32, #tpu.memory_space<hbm>>) target(%dma_start3A_19 : memref<128x128xf32, #tpu.memory_space<vmem>>) offsets(%dma_start3A_22 : memref<128xi32, #tpu.memory_space<vmem>>) semaphore(%arg7 : memref<!tpu.dma_semaphore, #tpu.memory_space<semaphore_mem>>)
    %scan3A = arith.constant 0 : i32
    %scan3A_26 = arith.constant 0 : i32
    %scan3A_27 = arith.constant 200 : i32
    %scan3A_28 = arith.addi %scan3A_26, %scan3A_27 : i32
    %scan3A_29 = arith.constant 1 : i32
    scf.for %scan3A_56 = %scan3A_26 to %scan3A_28 step %scan3A_29  : i32 {
      %dma_wait3A_57 = arith.constant 0 : i32
      %dma_wait3A_58 = arith.constant 0 : i32
      %dma_wait3A_59 = arith.constant 0 : i32
      %dma_wait3A_60 = arith.constant 0 : i32
      %dma_wait3A_61 = tpu.memref_slice %arg6[%dma_wait3A_58, %dma_wait3A_59, %dma_wait3A_60] : memref<2x128x128xf32, #tpu.memory_space<vmem>> -> memref<1x128x128xf32, #tpu.memory_space<vmem>>
      %dma_wait3A_62 = tpu.memref_squeeze %dma_wait3A_61 : memref<1x128x128xf32, #tpu.memory_space<vmem>> -> memref<128x128xf32, #tpu.memory_space<vmem>>
      %dma_wait3A_63 = arith.constant 0 : i32
      %dma_wait3A_64 = tpu.memref_slice %arg5[%dma_wait3A_57, %dma_wait3A_63] : memref<200x128xi32, #tpu.memory_space<vmem>> -> memref<1x128xi32, #tpu.memory_space<vmem>>
      %dma_wait3A_65 = tpu.memref_squeeze %dma_wait3A_64 : memref<1x128xi32, #tpu.memory_space<vmem>> -> memref<128xi32, #tpu.memory_space<vmem>>
      %dma_wait3A_66 = arith.constant 0 : i32
      %dma_wait3A_67 = arith.constant 0 : i32
      %dma_wait3A_68 = tpu.memref_slice %arg2[%dma_wait3A_66, %dma_wait3A_67] : memref<100000x128xf32, #tpu.memory_space<hbm>> -> memref<100000x128xf32, #tpu.memory_space<hbm>>
      tpu.wait_indirect_dma semaphore(%arg7 : memref<!tpu.dma_semaphore, #tpu.memory_space<semaphore_mem>>) src(%dma_wait3A_68 : memref<100000x128xf32, #tpu.memory_space<hbm>>) dst(%dma_wait3A_62 : memref<128x128xf32, #tpu.memory_space<vmem>>)
      %rem3A = arith.constant 2 : i32
      %rem3A_69 = arith.remsi %scan3A_56, %rem3A : i32
      %eq3A = arith.constant 0 : i32
      %eq3A_70 = arith.cmpi eq, %rem3A_69, %eq3A : i32
      %convert_element_type3A = arith.extui %eq3A_70 : i1 to i32
      %cond3A = arith.constant 0 : i32
      %cond3A_71 = arith.cmpi ne, %convert_element_type3A, %cond3A : i32
      scf.if %cond3A_71 {
        %mul3A_87 = arith.constant 128 : i32
        %mul3A_88 = arith.muli %scan3A_56, %mul3A_87 : i32
        %add3A_89 = arith.addi %mul3A_2, %mul3A_88 : i32
        %dma_start3A_90 = arith.constant 0 : i32
        %dma_start3A_91 = arith.constant 0 : i32
        %dma_start3A_92 = arith.constant 0 : i32
        %dma_start3A_93 = tpu.memref_slice %arg6[%dma_start3A_90, %dma_start3A_91, %dma_start3A_92] : memref<2x128x128xf32, #tpu.memory_space<vmem>> -> memref<1x128x128xf32, #tpu.memory_space<vmem>>
        %dma_start3A_94 = tpu.memref_squeeze %dma_start3A_93 : memref<1x128x128xf32, #tpu.memory_space<vmem>> -> memref<128x128xf32, #tpu.memory_space<vmem>>
        %dma_start3A_95 = arith.constant 0 : i32
        %dma_start3A_96 = tpu.memref_slice %arg4[%add3A_89, %dma_start3A_95] : memref<819200x128xf32, #tpu.memory_space<hbm>> -> memref<128x128xf32, #tpu.memory_space<hbm>>
        %dma_start3A_97 = arith.constant 0 : i32
        %dma_start3A_98 = tpu.memref_slice %arg4[%add3A_89, %dma_start3A_97] : memref<819200x128xf32, #tpu.memory_space<hbm>> -> memref<128x128xf32, #tpu.memory_space<hbm>>
        %dma_start3A_99 = arith.constant 0 : i32
        %dma_start3A_100 = arith.constant 0 : i32
        %dma_start3A_101 = tpu.memref_slice %arg6[%dma_start3A_90, %dma_start3A_99, %dma_start3A_100] : memref<2x128x128xf32, #tpu.memory_space<vmem>> -> memref<1x128x128xf32, #tpu.memory_space<vmem>>
        %dma_start3A_102 = tpu.memref_squeeze %dma_start3A_101 : memref<1x128x128xf32, #tpu.memory_space<vmem>> -> memref<128x128xf32, #tpu.memory_space<vmem>>
        tpu.enqueue_dma source(%dma_start3A_102 : memref<128x128xf32, #tpu.memory_space<vmem>>) target(%dma_start3A_98 : memref<128x128xf32, #tpu.memory_space<hbm>>) target_semaphore(%arg8 : memref<!tpu.dma_semaphore, #tpu.memory_space<semaphore_mem>>)
      } else {
      }
      %rem3A_72 = arith.constant 2 : i32
      %rem3A_73 = arith.remsi %scan3A_56, %rem3A_72 : i32
      %eq3A_74 = arith.constant 1 : i32
      %eq3A_75 = arith.cmpi eq, %rem3A_73, %eq3A_74 : i32
      %convert_element_type3A_76 = arith.extui %eq3A_75 : i1 to i32
      %cond3A_77 = arith.constant 0 : i32
      %cond3A_78 = arith.cmpi ne, %convert_element_type3A_76, %cond3A_77 : i32
      scf.if %cond3A_78 {
        %mul3A_87 = arith.constant 128 : i32
        %mul3A_88 = arith.muli %scan3A_56, %mul3A_87 : i32
        %add3A_89 = arith.addi %mul3A_2, %mul3A_88 : i32
        %dma_start3A_90 = arith.constant 1 : i32
        %dma_start3A_91 = arith.constant 0 : i32
        %dma_start3A_92 = arith.constant 0 : i32
        %dma_start3A_93 = tpu.memref_slice %arg6[%dma_start3A_90, %dma_start3A_91, %dma_start3A_92] : memref<2x128x128xf32, #tpu.memory_space<vmem>> -> memref<1x128x128xf32, #tpu.memory_space<vmem>>
        %dma_start3A_94 = tpu.memref_squeeze %dma_start3A_93 : memref<1x128x128xf32, #tpu.memory_space<vmem>> -> memref<128x128xf32, #tpu.memory_space<vmem>>
        %dma_start3A_95 = arith.constant 0 : i32
        %dma_start3A_96 = tpu.memref_slice %arg4[%add3A_89, %dma_start3A_95] : memref<819200x128xf32, #tpu.memory_space<hbm>> -> memref<128x128xf32, #tpu.memory_space<hbm>>
        %dma_start3A_97 = arith.constant 0 : i32
        %dma_start3A_98 = tpu.memref_slice %arg4[%add3A_89, %dma_start3A_97] : memref<819200x128xf32, #tpu.memory_space<hbm>> -> memref<128x128xf32, #tpu.memory_space<hbm>>
        %dma_start3A_99 = arith.constant 0 : i32
        %dma_start3A_100 = arith.constant 0 : i32
        %dma_start3A_101 = tpu.memref_slice %arg6[%dma_start3A_90, %dma_start3A_99, %dma_start3A_100] : memref<2x128x128xf32, #tpu.memory_space<vmem>> -> memref<1x128x128xf32, #tpu.memory_space<vmem>>
        %dma_start3A_102 = tpu.memref_squeeze %dma_start3A_101 : memref<1x128x128xf32, #tpu.memory_space<vmem>> -> memref<128x128xf32, #tpu.memory_space<vmem>>
        tpu.enqueue_dma source(%dma_start3A_102 : memref<128x128xf32, #tpu.memory_space<vmem>>) target(%dma_start3A_98 : memref<128x128xf32, #tpu.memory_space<hbm>>) target_semaphore(%arg8 : memref<!tpu.dma_semaphore, #tpu.memory_space<semaphore_mem>>)
      } else {
      }
      %ge3A = arith.constant 1 : i32
      %ge3A_79 = arith.cmpi sge, %scan3A_56, %ge3A : i32
      %sub3A = arith.constant 1 : i32
      %sub3A_80 = arith.subi %scan3A_56, %sub3A : i32
      %add3A_81 = arith.constant 2 : i32
      %add3A_82 = arith.addi %sub3A_80, %add3A_81 : i32
      %lt3A = arith.constant 200 : i32
      %lt3A_83 = arith.cmpi slt, %add3A_82, %lt3A : i32
      %and3A = arith.andi %ge3A_79, %lt3A_83 : i1
      %convert_element_type3A_84 = arith.extui %and3A : i1 to i32
      %cond3A_85 = arith.constant 0 : i32
      %cond3A_86 = arith.cmpi ne, %convert_element_type3A_84, %cond3A_85 : i32
      scf.if %cond3A_86 {
        %dma_wait3A_87 = arith.constant 0 : i32
        %dma_wait3A_88 = arith.constant 0 : i32
        %dma_wait3A_89 = arith.constant 0 : i32
        %dma_wait3A_90 = tpu.memref_slice %arg6[%dma_wait3A_87, %dma_wait3A_88, %dma_wait3A_89] : memref<2x128x128xf32, #tpu.memory_space<vmem>> -> memref<1x128x128xf32, #tpu.memory_space<vmem>>
        %dma_wait3A_91 = tpu.memref_squeeze %dma_wait3A_90 : memref<1x128x128xf32, #tpu.memory_space<vmem>> -> memref<128x128xf32, #tpu.memory_space<vmem>>
        %dma_wait3A_92 = arith.constant 0 : i32
        %dma_wait3A_93 = tpu.memref_slice %arg4[%mul3A_2, %dma_wait3A_92] : memref<819200x128xf32, #tpu.memory_space<hbm>> -> memref<128x128xf32, #tpu.memory_space<hbm>>
        %dma_wait3A_94 = arith.constant 0 : i32
        %dma_wait3A_95 = tpu.memref_slice %arg4[%mul3A_2, %dma_wait3A_94] : memref<819200x128xf32, #tpu.memory_space<hbm>> -> memref<128x128xf32, #tpu.memory_space<hbm>>
        %dma_wait3A_96 = arith.constant 0 : i32
        %dma_wait3A_97 = arith.constant 0 : i32
        %dma_wait3A_98 = tpu.memref_slice %arg6[%dma_wait3A_87, %dma_wait3A_96, %dma_wait3A_97] : memref<2x128x128xf32, #tpu.memory_space<vmem>> -> memref<1x128x128xf32, #tpu.memory_space<vmem>>
        %dma_wait3A_99 = tpu.memref_squeeze %dma_wait3A_98 : memref<1x128x128xf32, #tpu.memory_space<vmem>> -> memref<128x128xf32, #tpu.memory_space<vmem>>
        tpu.wait_dma2 semaphore(%arg8 : memref<!tpu.dma_semaphore, #tpu.memory_space<semaphore_mem>>) src(%dma_wait3A_99 : memref<128x128xf32, #tpu.memory_space<vmem>>) dst(%dma_wait3A_95 : memref<128x128xf32, #tpu.memory_space<hbm>>)
        %sub3A_100 = arith.constant 1 : i32
        %sub3A_101 = arith.subi %scan3A_56, %sub3A_100 : i32
        %rem3A_102 = arith.constant 2 : i32
        %rem3A_103 = arith.remsi %sub3A_101, %rem3A_102 : i32
        %eq3A_104 = arith.constant 0 : i32
        %eq3A_105 = arith.cmpi eq, %rem3A_103, %eq3A_104 : i32
        %convert_element_type3A_106 = arith.extui %eq3A_105 : i1 to i32
        %cond3A_107 = arith.constant 0 : i32
        %cond3A_108 = arith.cmpi ne, %convert_element_type3A_106, %cond3A_107 : i32
        scf.if %cond3A_108 {
          %sub3A_118 = arith.constant 1 : i32
          %sub3A_119 = arith.subi %scan3A_56, %sub3A_118 : i32
          %add3A_120 = arith.constant 2 : i32
          %add3A_121 = arith.addi %sub3A_119, %add3A_120 : i32
          %dma_start3A_122 = arith.constant 0 : i32
          %dma_start3A_123 = arith.constant 0 : i32
          %dma_start3A_124 = arith.constant 0 : i32
          %dma_start3A_125 = tpu.memref_slice %arg6[%dma_start3A_122, %dma_start3A_123, %dma_start3A_124] : memref<2x128x128xf32, #tpu.memory_space<vmem>> -> memref<1x128x128xf32, #tpu.memory_space<vmem>>
          %dma_start3A_126 = tpu.memref_squeeze %dma_start3A_125 : memref<1x128x128xf32, #tpu.memory_space<vmem>> -> memref<128x128xf32, #tpu.memory_space<vmem>>
          %dma_start3A_127 = arith.constant 0 : i32
          %dma_start3A_128 = tpu.memref_slice %arg5[%add3A_121, %dma_start3A_127] : memref<200x128xi32, #tpu.memory_space<vmem>> -> memref<1x128xi32, #tpu.memory_space<vmem>>
          %dma_start3A_129 = tpu.memref_squeeze %dma_start3A_128 : memref<1x128xi32, #tpu.memory_space<vmem>> -> memref<128xi32, #tpu.memory_space<vmem>>
          %dma_start3A_130 = arith.constant 0 : i32
          %dma_start3A_131 = arith.constant 0 : i32
          %dma_start3A_132 = tpu.memref_slice %arg2[%dma_start3A_130, %dma_start3A_131] : memref<100000x128xf32, #tpu.memory_space<hbm>> -> memref<100000x128xf32, #tpu.memory_space<hbm>>
          tpu.enqueue_indirect_dma source(%dma_start3A_132 : memref<100000x128xf32, #tpu.memory_space<hbm>>) target(%dma_start3A_126 : memref<128x128xf32, #tpu.memory_space<vmem>>) offsets(%dma_start3A_129 : memref<128xi32, #tpu.memory_space<vmem>>) semaphore(%arg7 : memref<!tpu.dma_semaphore, #tpu.memory_space<semaphore_mem>>)
        } else {
        }
        %sub3A_109 = arith.constant 1 : i32
        %sub3A_110 = arith.subi %scan3A_56, %sub3A_109 : i32
        %rem3A_111 = arith.constant 2 : i32
        %rem3A_112 = arith.remsi %sub3A_110, %rem3A_111 : i32
        %eq3A_113 = arith.constant 1 : i32
        %eq3A_114 = arith.cmpi eq, %rem3A_112, %eq3A_113 : i32
        %convert_element_type3A_115 = arith.extui %eq3A_114 : i1 to i32
        %cond3A_116 = arith.constant 0 : i32
        %cond3A_117 = arith.cmpi ne, %convert_element_type3A_115, %cond3A_116 : i32
        scf.if %cond3A_117 {
          %sub3A_118 = arith.constant 1 : i32
          %sub3A_119 = arith.subi %scan3A_56, %sub3A_118 : i32
          %add3A_120 = arith.constant 2 : i32
          %add3A_121 = arith.addi %sub3A_119, %add3A_120 : i32
          %dma_start3A_122 = arith.constant 1 : i32
          %dma_start3A_123 = arith.constant 0 : i32
          %dma_start3A_124 = arith.constant 0 : i32
          %dma_start3A_125 = tpu.memref_slice %arg6[%dma_start3A_122, %dma_start3A_123, %dma_start3A_124] : memref<2x128x128xf32, #tpu.memory_space<vmem>> -> memref<1x128x128xf32, #tpu.memory_space<vmem>>
          %dma_start3A_126 = tpu.memref_squeeze %dma_start3A_125 : memref<1x128x128xf32, #tpu.memory_space<vmem>> -> memref<128x128xf32, #tpu.memory_space<vmem>>
          %dma_start3A_127 = arith.constant 0 : i32
          %dma_start3A_128 = tpu.memref_slice %arg5[%add3A_121, %dma_start3A_127] : memref<200x128xi32, #tpu.memory_space<vmem>> -> memref<1x128xi32, #tpu.memory_space<vmem>>
          %dma_start3A_129 = tpu.memref_squeeze %dma_start3A_128 : memref<1x128xi32, #tpu.memory_space<vmem>> -> memref<128xi32, #tpu.memory_space<vmem>>
          %dma_start3A_130 = arith.constant 0 : i32
          %dma_start3A_131 = arith.constant 0 : i32
          %dma_start3A_132 = tpu.memref_slice %arg2[%dma_start3A_130, %dma_start3A_131] : memref<100000x128xf32, #tpu.memory_space<hbm>> -> memref<100000x128xf32, #tpu.memory_space<hbm>>
          tpu.enqueue_indirect_dma source(%dma_start3A_132 : memref<100000x128xf32, #tpu.memory_space<hbm>>) target(%dma_start3A_126 : memref<128x128xf32, #tpu.memory_space<vmem>>) offsets(%dma_start3A_129 : memref<128xi32, #tpu.memory_space<vmem>>) semaphore(%arg7 : memref<!tpu.dma_semaphore, #tpu.memory_space<semaphore_mem>>)
        } else {
        }
      } else {
      }
    }
    %scan3A_30 = arith.constant 200 : i32
    %dma_wait3A = arith.constant 0 : i32
    %dma_wait3A_31 = arith.constant 0 : i32
    %dma_wait3A_32 = arith.constant 0 : i32
    %dma_wait3A_33 = tpu.memref_slice %arg6[%dma_wait3A, %dma_wait3A_31, %dma_wait3A_32] : memref<2x128x128xf32, #tpu.memory_space<vmem>> -> memref<1x128x128xf32, #tpu.memory_space<vmem>>
    %dma_wait3A_34 = tpu.memref_squeeze %dma_wait3A_33 : memref<1x128x128xf32, #tpu.memory_space<vmem>> -> memref<128x128xf32, #tpu.memory_space<vmem>>
    %dma_wait3A_35 = arith.constant 0 : i32
    %dma_wait3A_36 = tpu.memref_slice %arg4[%mul3A_2, %dma_wait3A_35] : memref<819200x128xf32, #tpu.memory_space<hbm>> -> memref<128x128xf32, #tpu.memory_space<hbm>>
    %dma_wait3A_37 = arith.constant 0 : i32
    %dma_wait3A_38 = tpu.memref_slice %arg4[%mul3A_2, %dma_wait3A_37] : memref<819200x128xf32, #tpu.memory_space<hbm>> -> memref<128x128xf32, #tpu.memory_space<hbm>>
    %dma_wait3A_39 = arith.constant 0 : i32
    %dma_wait3A_40 = arith.constant 0 : i32
    %dma_wait3A_41 = tpu.memref_slice %arg6[%dma_wait3A, %dma_wait3A_39, %dma_wait3A_40] : memref<2x128x128xf32, #tpu.memory_space<vmem>> -> memref<1x128x128xf32, #tpu.memory_space<vmem>>
    %dma_wait3A_42 = tpu.memref_squeeze %dma_wait3A_41 : memref<1x128x128xf32, #tpu.memory_space<vmem>> -> memref<128x128xf32, #tpu.memory_space<vmem>>
    tpu.wait_dma2 semaphore(%arg8 : memref<!tpu.dma_semaphore, #tpu.memory_space<semaphore_mem>>) src(%dma_wait3A_42 : memref<128x128xf32, #tpu.memory_space<vmem>>) dst(%dma_wait3A_38 : memref<128x128xf32, #tpu.memory_space<hbm>>)
    %dma_wait3A_43 = arith.constant 0 : i32
    %dma_wait3A_44 = arith.constant 0 : i32
    %dma_wait3A_45 = arith.constant 0 : i32
    %dma_wait3A_46 = tpu.memref_slice %arg6[%dma_wait3A_43, %dma_wait3A_44, %dma_wait3A_45] : memref<2x128x128xf32, #tpu.memory_space<vmem>> -> memref<1x128x128xf32, #tpu.memory_space<vmem>>
    %dma_wait3A_47 = tpu.memref_squeeze %dma_wait3A_46 : memref<1x128x128xf32, #tpu.memory_space<vmem>> -> memref<128x128xf32, #tpu.memory_space<vmem>>
    %dma_wait3A_48 = arith.constant 0 : i32
    %dma_wait3A_49 = tpu.memref_slice %arg4[%mul3A_2, %dma_wait3A_48] : memref<819200x128xf32, #tpu.memory_space<hbm>> -> memref<128x128xf32, #tpu.memory_space<hbm>>
    %dma_wait3A_50 = arith.constant 0 : i32
    %dma_wait3A_51 = tpu.memref_slice %arg4[%mul3A_2, %dma_wait3A_50] : memref<819200x128xf32, #tpu.memory_space<hbm>> -> memref<128x128xf32, #tpu.memory_space<hbm>>
    %dma_wait3A_52 = arith.constant 0 : i32
    %dma_wait3A_53 = arith.constant 0 : i32
    %dma_wait3A_54 = tpu.memref_slice %arg6[%dma_wait3A_43, %dma_wait3A_52, %dma_wait3A_53] : memref<2x128x128xf32, #tpu.memory_space<vmem>> -> memref<1x128x128xf32, #tpu.memory_space<vmem>>
    %dma_wait3A_55 = tpu.memref_squeeze %dma_wait3A_54 : memref<1x128x128xf32, #tpu.memory_space<vmem>> -> memref<128x128xf32, #tpu.memory_space<vmem>>
    tpu.wait_dma2 semaphore(%arg8 : memref<!tpu.dma_semaphore, #tpu.memory_space<semaphore_mem>>) src(%dma_wait3A_55 : memref<128x128xf32, #tpu.memory_space<vmem>>) dst(%dma_wait3A_51 : memref<128x128xf32, #tpu.memory_space<hbm>>)
    return
  }
}

</mosaic_0001>

<sc_bundles>
// kernel: kernel.3.cloned.1.call-start
scs
__scs_entry_jumppad:
0x0: {  	(pc) =	sbr.rel $0x88, $3  }
0x1: {  	(tag) =	ssettag $0x0;
	lr =	simm.s32 $0x1  }
0x2: {  	[smem:$0x3F9F] =	sst lr;
	_ =	strace $0xD0000000  }
0x3: {  	_ = 	snop  }
0x4: {  	_ = 	snop  }
0x5: {  	_ = 	snop  }
0x6: {  	_ = 	snop  }
0x7: {  	_ = 	snop  }
__scs_overlays_trampoline_lowered:
0x8: {  	[smem:$0x3FAE] =	sst s0  }
0x9: {  	[smem:$0x3FAF] =	sst s1  }
0xa: {  	[smem:$0x3FB0] =	sst s2  }
0xb: {  	[smem:$0x3FB1] =	sst s3  }
0xc: {  	[smem:$0x3FB2] =	sst s4  }
0xd: {  	[smem:$0x3FB3] =	sst s5  }
0xe: {  	[smem:$0x3FB4] =	sst s6  }
0xf: {  	[smem:$0x3FB5] =	sst s7  }
0x10: {  	[smem:$0x3FB6] =	sst s8  }
0x11: {  	[smem:$0x3FB7] =	sst s9;
	s0 =	simm.s32 @!p0 $0x0  }
0x12: {  	s1 =	sld [smem:$0x3F9D];
	s0 =	simm.s32 @p0 $0x1  }
0x13: {  	[smem:$0x3FB8] =	sst s0;
	s0 =	simm.s32 @!p1 $0x0  }
0x14: {  	s2 =	sld [smem:$0x3F9C];
	s0 =	simm.s32 @p1 $0x1  }
0x15: {  	[smem:$0x3FB9] =	sst s0;
	s0 =	simm.s32 @!p2 $0x0  }
0x16: {  	s3 =	sld [smem:$0x3FDB];
	s0 =	simm.s32 @p2 $0x1  }
0x17: {  	s4 =	simm.s32 $0x1BF5;
	[smem:$0x3FBB] =	sst s0  }
0x18: {  	s0 =	sld [smem:$0x3F9E];
	_ =	swait.ge [sflag:s4], $0x0  }
0x19: {  	s7 =	sld [smem:$0x3F9F]  }
0x1a: {  	s8 =	sadd.s32 $0xFFFFE003, lr  }
0x1b: {  	s9 =	sadd.s32 $0xFFFFFEF7, lr;
	s5 =	simm.s32 $0xFFFFFFFF;
	p2 =	slt.u32 s8, $0xFFFFF086  }
0x1c: {  	p1 =	slt.u32 s9, $0xF7A;
	s5 =	simm.s32 @!p2 $0x0  }
0x1d: {  	s5 =	simm.s32 @p1 $0x1;
	p0 =	seq.s32 s7, s2  }
0x1e: {  	s7 =	smul.u32 @!p0 $0xF7A, s2;
	p2 =	seq.s32 @!p0 s5, $0x0  }
0x1f: {  	s9 =	smul.u32 $0xF7A, s1;
	s8 =	simm.s32 @!p0 $0x1BF5;
	p2 =	por !p2, p0  }
0x20: {  	[sflag:s8] =	ssyncset.s32 @!p0 $0xFFFFF086;
	s6 =	sadd.s32 @!p0 s3, s7;
	s7 =	simm.s32 @!p0 $0x108  }
0x21: {  	s3 =	sadd.s32 s3, s9;
	s6 =	sadd.s32 @!p0 $0x88, s6;
	s7 =	simm.s32 @p2 $0x1082  }
0x22: {  	[simem:s7], [sflag:s8] =	dma.local @!p0 [hbm:s6], $0xF7A  }
0x23: {  	s9 =	sor.u32 $0xD0000000, s2;
	s6 =	simm.s32 $0x108;
	_ =	swait.ge @!p0 [sflag:s8], $0x0  }
0x24: {  	s3 =	sadd.s32 $0x88, s3;
	s6 =	simm.s32 @!p1 $0x1082;
	[sflag:s4] =	ssyncset.s32 $0xFFFFF086  }
0x25: {  	[simem:s6], [sflag:s4] =	dma.local [hbm:s3], $0xF7A  }
0x26: {  	[smem:$0x3F9F] =	sst s1;
	(tag) =	ssettag s2;
	_ =	strace s9  }
0x27: {  	s1 =	sld [smem:$0x3FAF]  }
0x28: {  	s2 =	sld [smem:$0x3FB0]  }
0x29: {  	s4 =	sld [smem:$0x3FB2]  }
0x2a: {  	p0 =	seq.s32 s5, $0x0;
	s5 =	sld [smem:$0x3FB3]  }
0x2b: {  	s6 =	sld [smem:$0x3FB4]  }
0x2c: {  	s7 =	sld [smem:$0x3FB5]  }
0x2d: {  	s3 =	simm.s32 $0x108;
	s8 =	sld [smem:$0x3FB6]  }
0x2e: {  	s3 =	simm.s32 @!p0 $0x1082;
	s9 =	sld [smem:$0x3FB7]  }
0x2f: {  	lr =	sadd.s32 s0, s3;
	s0 =	sld [smem:$0x3FAE]  }
0x30: {  	s3 =	sld [smem:$0x3FB1]  }
0x31: {  	[smem:$0x3FBA] =	sst s10  }
0x32: {  	s10 =	sld [smem:$0x3FB8];
	_ =	sdelay $0x3  }
0x33: {  	p0 =	seq.s32 s10, $0x1;
	s10 =	sld [smem:$0x3FBA];
	_ =	sdelay $0x3  }
0x34: {  	[smem:$0x3FBA] =	sst s10  }
0x35: {  	s10 =	sld [smem:$0x3FB9];
	_ =	sdelay $0x3  }
0x36: {  	p1 =	seq.s32 s10, $0x1;
	s10 =	sld [smem:$0x3FBA];
	_ =	sdelay $0x3  }
0x37: {  	[smem:$0x3FBA] =	sst s10  }
0x38: {  	s10 =	sld [smem:$0x3FBB]  }
0x39: {  	_ = 	snop;
	(pc) =	sbr.ind lr, $3  }
0x3a: {  	_ = 	snop  }
0x3b: {  	_ = 	snop  }
0x3c: {  	p2 =	seq.s32 s10, $0x1;
	s10 =	sld [smem:$0x3FBA]  }
0x3d: {  	_ =	shalt  }
0x3e: {  	_ =	shalt  }
0x3f: {  	_ =	shalt  }
0x40: {  	_ =	shalt  }
0x41: {  	_ =	shalt  }
0x42: {  	_ =	shalt  }
0x43: {  	_ =	shalt  }
0x44: {  	_ =	shalt  }
0x45: {  	_ =	shalt  }
0x46: {  	_ =	shalt  }
0x47: {  	_ =	shalt  }
0x48: {  	_ =	shalt  }
0x49: {  	_ =	shalt  }
0x4a: {  	_ =	shalt  }
0x4b: {  	_ =	shalt  }
0x4c: {  	_ =	shalt  }
0x4d: {  	_ =	shalt  }
0x4e: {  	_ =	shalt  }
0x4f: {  	_ =	shalt  }
0x50: {  	_ =	shalt  }
0x51: {  	_ =	shalt  }
0x52: {  	_ =	shalt  }
0x53: {  	_ =	shalt  }
0x54: {  	_ =	shalt  }
0x55: {  	_ =	shalt  }
0x56: {  	_ =	shalt  }
0x57: {  	_ =	shalt  }
0x58: {  	_ =	shalt  }
0x59: {  	_ =	shalt  }
0x5a: {  	_ =	shalt  }
0x5b: {  	_ =	shalt  }
0x5c: {  	_ =	shalt  }
0x5d: {  	_ =	shalt  }
0x5e: {  	_ =	shalt  }
0x5f: {  	_ =	shalt  }
0x60: {  	_ =	shalt  }
0x61: {  	_ =	shalt  }
0x62: {  	_ =	shalt  }
0x63: {  	_ =	shalt  }
0x64: {  	_ =	shalt  }
0x65: {  	_ =	shalt  }
0x66: {  	_ =	shalt  }
0x67: {  	_ =	shalt  }
0x68: {  	_ =	shalt  }
0x69: {  	_ =	shalt  }
0x6a: {  	_ =	shalt  }
0x6b: {  	_ =	shalt  }
0x6c: {  	_ =	shalt  }
0x6d: {  	_ =	shalt  }
0x6e: {  	_ =	shalt  }
0x6f: {  	_ =	shalt  }
0x70: {  	_ =	shalt  }
0x71: {  	_ =	shalt  }
0x72: {  	_ =	shalt  }
0x73: {  	_ =	shalt  }
0x74: {  	_ =	shalt  }
0x75: {  	_ =	shalt  }
0x76: {  	_ =	shalt  }
0x77: {  	_ =	shalt  }
0x78: {  	_ =	shalt  }
0x79: {  	_ =	shalt  }
0x7a: {  	_ =	shalt  }
0x7b: {  	_ =	shalt  }
0x7c: {  	_ =	shalt  }
0x7d: {  	_ =	shalt  }
0x7e: {  	_ =	shalt  }
0x7f: {  	_ =	shalt  }
0x80: {  	_ =	shalt  }
0x81: {  	_ =	shalt  }
0x82: {  	_ =	shalt  }
0x83: {  	_ =	shalt  }
0x84: {  	_ =	shalt  }
0x85: {  	_ =	shalt  }
0x86: {  	_ =	shalt  }
0x87: {  	_ =	shalt  }
.Lfunc_end0:
.L_simem_size_0:
called_computation_lowered:
.L_overlay_start_0:
0x88: {  	s2 =	sld [smem:$0x3FD9]  }
0x89: {  	s3 =	sld [smem:$0x3FFE];
	_ =	sdelay $0x1  }
0x8a: {  	s1 =	srdreg.scid  }
0x8b: {  	s0 =	sand.u32 $0x1, s1  }
0x8c: {  	s17 =	sshll.u32 s0, $0xA;
	s2 =	sadd.s32 s3, s2  }
0x8d: {  	s2 =	sadd.s32 s2, s17  }
0x8e: {  	[smem:$0x3FC6] =	sst s2  }
0x8f: {  	_ = 	snop  }
0x90: {  	s2 =	sld [smem:$0x3FC8]  }
0x91: {  	s18 =	sld [smem:$0x3FD0];
	(tm) =	ssettm $0x1  }
0x92: {  	s4 =	sld [smem:$0x3FFB];
	_ =	sdelay $0x3  }
0x93: {  	_ =	strace s4  }
0x94: {  	s4 =	sld [smem:$0x3FFC];
	_ =	sdelay $0x3  }
0x95: {  	_ =	strace s4  }
0x96: {  	s4 =	sld [smem:$0x3FFD];
	_ =	sdelay $0x3  }
0x97: {  	_ =	strace s4  }
0x98: {  	_ =	strace $0x8FFFFFFF  }
0x99: {  	s19 =	sld [smem:$0x3FDB];
	_ =	sdelay $0x1  }
0x9a: {  	s5 =	simm.s32 $_scs_section_size  }
0x9b: {  	s6 =	simm.s32 $_size__tile_overlayer_lowered;
	s7 =	simm.s32 $_tile_overlayer_lowered  }
0x9c: {  	s22 =	simm.s32 $0x1BFF;
	s21 =	sshll.u32 s7, $0x1;
	s4 =	sadd.s32 s5, s19  }
0x9d: {  	s8 =	simm.s32 $0x0;
	s20 =	sshll.u32 s6, $0x1;
	s6 =	sadd.s32 s21, s4  }
0x9e: {  	[timem:s8], [sflag:s22] =	dma.local [hbm:s6], s20  }
0x9f: {  	_ =	swait.ge [sflag:s22], s20  }
0xa0: {  	s5 =	ssub.s32 $0x0, s20;
	[sflag:s22] =	ssyncset.done $0x0  }
0xa1: {  	[sflag:s22] =	ssyncadd.s32 s5;
	_ =	sdelay $0x1  }
0xa2: {  	s23 =	simm.s32 $0x1B8B  }
0xa3: {  	_ =	swait.ge [sflag:s23], $0x1  }
0xa4: {  	[sflag:s23] =	ssyncset.done $0x0  }
0xa5: {  	s25 =	simm.s32 $0x1B8E;
	s24 =	sld [smem:$0x3FFE];
	[sflag:s23] =	ssyncadd.s32 $0xFFFFFFFF  }
0xa6: {  	s26 =	simm.s32 $execute0_lowered;
	[smem:$0x3FD2] =	sst s25  }
0xa7: {  	s6 =	sshll.u32 s26, $0x1;
	_ =	strace $0x80000046;
	[dreg:$0x1] =	wrdreg $0xFFFFFFFF  }
0xa8: {  	s28 =	simm.s32 $_size_execute0_lowered;
	s4 =	sadd.s32 s4, s6;
	[dreg:$0x0] =	wrdreg $0x0  }
0xa9: {  	s6 =	sshll.u32 s28, $0x1;
	[dreg:$0x2] =	wrdreg s4  }
0xaa: {  	[dreg:$0x3] =	wrdreg s6  }
0xab: {  	[dreg:$0x4] =	wrdreg $0xC0  }
0xac: {  	_ =	task [dreg:s8], $0x5FFFF  }
0xad: {  	[dreg:$0x1] =	wrdreg $0xFFFFFFFF  }
0xae: {  	[dreg:$0x0] =	wrdreg $0x60  }
0xaf: {  	[dreg:$0x2] =	wrdreg s2  }
0xb0: {  	[dreg:$0x3] =	wrdreg s24  }
0xb1: {  	[dreg:$0x4] =	wrdreg s18  }
0xb2: {  	[dreg:$0x5] =	wrdreg $0x9  }
0xb3: {  	_ =	task.clear_ibuf [dreg:s8], $0x6FFFF;
	_ =	strace $0x90000046  }
0xb4: {  	s29 =	simm.s32 $0x9;
	_ =	strace $0x80000048  }
0xb5: {  	_ =	swait.ge [sflag:s29], $0x1  }
0xb6: {  	[sflag:s29] =	ssyncadd.s32 $0xFFFFFFFF  }
0xb7: {  	_ =	strace $0x90000048  }
0xb8: {  	_ =	sfence  }
0xb9: {  	s30 =	sld [smem:$0x0];
	_ =	sdelay $0x2  }
0xba: {  	s31 =	sshll.u32 s1, $0xD;
	s1 =	sshrl.u32 s1, $0x2  }
0xbb: {  	s3 =	sand.u32 $0x4000, s31;
	s1 =	sadd.s32 s1, s30  }
0xbc: {  	s0 =	sor.u32 s3, s0;
	s1 =	sshll.u32 s1, $0x11  }
0xbd: {  	s0 =	sor.u32 s1, s0  }
0xbe: {  	s0 =	sadd.s32 $0x8F2B, s0  }
0xbf: {  	[sflag:s0] =	ssyncadd.remote.s32 $0x1  }
0xc0: {  	_ =	sfence.sel $0xFFFF  }
0xc1: {  	[dreg:$0x0] =	wrdreg $0xFFFFFFFF;
	(pc) =	sbr.abs _section_cstart, $3  }
0xc2: {  	[dreg:$0x1] =	wrdreg $0xFFFFFFFF  }
0xc3: {  	_ =	task.clear_ibuf [dreg:s8], $0x2FFFF;
	_ =	strace $0x9FFFFFFF  }
0xc4: {  	(tm) =	ssettm $0x7FFFFFFF  }
0xc5: {  	_ =	shalt  }
tec
execute0_lowered:
.L_overlay_start_1:
0x0: {  	(tag) =	ssettag $0x1  }
0x1: {  	s1 =	rddreg [dreg:$0x0]  }
0x2: {  	s4 =	rddreg [dreg:$0x1]  }
0x3: {  	s6 =	rddreg [dreg:$0x2]  }
0x4: {  	s0 =	rddreg [dreg:$0x3]  }
0x5: {  	s3 =	srdreg.scid;
	s2 =	stileid.u32  }
0x6: {  	s11 =	simm.s32 $0x2;
	s12 =	simm.s32 $0x0;
	s5 =	sand.u32 $0x1, s3  }
0x7: {  	s7 =	sshll.u32 s2, $0x1;
	s8 =	smul.u32 $0x640000, s2;
	s3 =	simm.s32 $0x0  }
0x8: {  	s7 =	sor.u32 s5, s7;
	s9 =	smul.u32 $0x320000, s5;
	s5 =	ssub.s32 $0x2, s5  }
0x9: {  	[smem:$0x7FF] =	sst s3;
	s7 =	smul.u32 $0xC80, s7;
	s10 =	sshrl.u32 s5, $0x1  }
0xa: {  	_ =	strace $0x80000047;
	s8 =	sadd.s32 s9, s8;
	s5 =	ssub.s32 s5, s10  }
0xb: {  	s9 =	simm.s32 $0xA400;
	s10 =	simm.s32 $0x1;
	s4 =	sadd.s32 s7, s4  }
0xc: {  	s31 =	sshrl.u32 s8, $0x3;
	s5 =	smax.u32 s5, $0x1;
	s7 =	simm.s32 $0x3  }
0xd: {  	s8 =	simm.s32 $0x6400;
	s4 =	sadd.s32 $0x400, s4;
	s6 =	sadd.s32 s31, s6  }
.LBB2_1:
0xe: {  	[tilespmem:s3], [sflag:$0x3] =	stream.linear.gather [hbm4b:s4+s3], $0x6400, $0x38;
	[tilespmem:$0xE400] =	vst v63  }
0xf: {  	s13 =	simm.s32 $0x80;
	s14 =	simm.s32 $0x1;
	_ =	swait.ge [sflag:s7], $0x6400  }
0x10: {  	s15 =	sand.u32 $0x1, s3;
	p1 =	por $0x1, $0x1;
	[sflag:s7] =	ssyncset.done $0x0  }
0x11: {  	p2 =	seq.s32 s15, $0x1;
	s15 =	simm.s32 $0xA400;
	[sflag:s7] =	ssyncadd.s32 $0xFFFF9C00  }
0x12: {  	[tilespmem:s8], [sflag:$0x1] =	stream.indirect.gather [hbm4b:s1+s13], $0x80, s3, s13, $0xb8;
	[tilespmem:$0xE400] =	vst v63  }
0x13: {  	s16 =	smov.u32 s6;
	p3 =	por @!p1 $0x0, $0x0;
	s15 =	simm.s32 @!p2 $0x6400  }
0x14: {  	[tilespmem:s9], [sflag:$0x1] =	stream.indirect.gather [hbm4b:s1+s13], $0x80, s13, s13, $0xb8;
	[tilespmem:$0xE400] =	vst v63  }
0x15: {  	p0 =	por p3, p1;
	p2 =	por @!p1 !p2, p3;
	_ =	swait.ge [sflag:s10], $0x4000  }
0x16: {  	s17 =	simm.s32 @!p0 $0x2;
	s18 =	simm.s32 @!p0 $0x6400;
	[sflag:s10] =	ssyncset.done $0x0  }
0x17: {  	p1 =	por !p2, p1;
	s19 =	simm.s32 @!p0 $0x80;
	[sflag:s10] =	ssyncadd.s32 $0xFFFFC000  }
0x18: {  	[hbm4b:s6+s3] =	stream.linear.scatter [tilespmem:s15], [sflag:$0x2], $0x4000, $0x38;
	[tilespmem:$0xE400] =	vst v63  }
0x19: {  	s18 =	simm.s32 @!p1 $0xA400;
	s15 =	simm.s32 $0x100;
	_ =	swait.ge @!p0 [sflag:s17], $0x4000  }
.LBB2_2:
0x1a: {  	[sflag:s17] =	ssyncset.done @!p0 $0x0  }
0x1b: {  	s16 =	sadd.s32 $0x800, s16;
	s20 =	smov.u32 s14;
	s14 =	sadd.s32 $0x1, s14  }
0x1c: {  	p1 =	sne.s32 s14, $0xC8;
	[sflag:s17] =	ssyncadd.s32 @!p0 $0xFFFFC000  }
0x1d: {  	[tilespmem:s18], [sflag:$0x1] =	stream.indirect.gather @!p0 [hbm4b:s1+s19], $0x80, s13, s19, $0xb8;
	[tilespmem:$0xE400] =	vst v63  }
0x1e: {  	s17 =	sand.u32 $0x1, s20;
	p2 =	seq.s32 s20, $0x0;
	s13 =	smov.u32 s15  }
0x1f: {  	p3 =	seq.s32 s17, $0x1;
	s19 =	simm.s32 $0xA400;
	_ =	swait.ge [sflag:s10], $0x4000  }
0x20: {  	p4 =	seq.s32 @!p2 s20, $0xC7;
	s19 =	simm.s32 @!p3 $0x6400;
	[sflag:s10] =	ssyncset.done $0x0  }
.Ltmp0:
0x21: {  	p0 =	por p4, p2;
	p3 =	por @!p2 !p3, p4;
	(pc) =	sbr.rel @p1 .LBB2_2-.Ltmp0, $4  }
0x22: {  	s17 =	simm.s32 @!p0 $0x2;
	s18 =	simm.s32 @!p0 $0x6400;
	[sflag:s10] =	ssyncadd.s32 $0xFFFFC000  }
0x23: {  	s15 =	sadd.s32 $0x80, s15;
	p2 =	por !p3, p2  }
0x24: {  	[hbm4b:s16+s3] =	stream.linear.scatter [tilespmem:s19], [sflag:$0x2], $0x4000, $0x38;
	[tilespmem:$0xE400] =	vst v63  }
0x25: {  	s18 =	simm.s32 @!p2 $0xA400;
	s19 =	simm.s32 @!p0 $0x80;
	_ =	swait.ge @!p0 [sflag:s17], $0x4000  }
0x26: {  	[sflag:s17] =	ssyncset.done @!p0 $0x0  }
0x27: {  	s12 =	sadd.s32 $0x1, s12;
	[sflag:s17] =	ssyncadd.s32 @!p0 $0xFFFFC000  }
0x28: {  	[tilespmem:s18], [sflag:$0x1] =	stream.indirect.gather @!p0 [hbm4b:s1+s19], $0x80, s13, s19, $0xb8;
	[tilespmem:$0xE400] =	vst v63  }
0x29: {  	p0 =	sne.s32 s12, s5;
	_ =	swait.ge [sflag:s11], $0x4000  }
.Ltmp1:
0x2a: {  	[sflag:s11] =	ssyncset.done $0x0;
	(pc) =	sbr.rel @p0 .LBB2_1-.Ltmp1, $4  }
0x2b: {  	[sflag:s11] =	ssyncadd.s32 $0xFFFFC000  }
0x2c: {  	_ =	swait.ge [sflag:s11], $0x4000  }
0x2d: {  	[sflag:s11] =	ssyncset.done $0x0  }
0x2e: {  	[sflag:s11] =	ssyncadd.s32 $0xFFFFC000  }
0x2f: {  	_ =	sfence.sel $0x180000  }
0x30: {  	[bflag:$0x0] =	sbarrier.arrive $0xFFFF  }
0x31: {  	p0 =	sne.s32 s2, $0x0;
	_ =	strace $0x90000047  }
0x32: {  	s0 =	sadd.s32 @!p0 $0x100000, s0;
	[bflag:$0x2] =	sbarrier.arrive $0xFFFF  }
0x33: {  	[sflag:s0] =	ssyncadd.tile.s32 @!p0 $0x1;
	_ =	shalt  }
.Lfunc_end2:
_tile_overlayer_lowered:
.L_overlay_start_2:
0x34: {  	(tag) =	ssettag $0x2  }
0x35: {  	s0 =	rddreg [dreg:$0x0];
	s2 =	stileid.u32  }
0x36: {  	s1 =	rddreg [dreg:$0x1];
	p0 =	sne.s32 s2, $0x0  }
0x37: {  	s3 =	rddreg [dreg:$0x2];
	[bflag:$0x3] =	sbarrier.arrive $0xFFFF;
	s2 =	simm.s32 @!p0 $0x1C03  }
0x38: {  	[timem:s3], [sflag:s2] =	dma.local @!p0 [hbm:s0], s1  }
0x39: {  	s0 =	simm.s32 @!p0 $0x3  }
0x3a: {  	_ =	swait.ge @!p0 [sflag:s0], s1  }
0x3b: {  	s1 =	ssub.s32 @!p0 $0x0, s1;
	[sflag:s0] =	ssyncset.done @!p0 $0x0  }
0x3c: {  	[sflag:s0] =	ssyncadd.s32 @!p0 s1  }
0x3d: {  	[bflag:$0x3] =	sbarrier.arrive $0xFFFF  }
0x3e: {  	_ =	shalt  }

</sc_bundles>
